<compile_context>
chip_gen: v7x
topology: tpu7x:2x2x1
jax: 0.10.2.dev20260603
libtpu: 0.0.44.dev20260713+nightly
codegen_flags: <defaults>
</compile_context>

<pallas_src>
import functools

import jax
import jax.numpy as jnp
from jax import lax
from jax.experimental import pallas as pl
from jax.experimental.pallas import tpu as pltpu
from jax.experimental.pallas import tpu_sc as plsc

B = 64
KS = 32
VS = 32
W = KS + VS
M = 1_000_000
F = 4
WF = F * W
MF = M // F
BLKF = 2000
GRID = MF // BLKF
EPS = 1e-8
BIG = 1 << 28


def _scan_body(qn_ref, mem_ref, idx_ref, bestv_ref, besti_ref):
    i = pl.program_id(0)

    @pl.when(i == 0)
    def _init():
        bestv_ref[...] = jnp.full((B, 1), -jnp.inf, dtype=jnp.float32)
        besti_ref[...] = jnp.zeros((B, 1), dtype=jnp.int32)

    qnb = qn_ref[...].astype(jnp.bfloat16)
    zb = jnp.zeros((B, KS), jnp.bfloat16)
    qq = jnp.concatenate(
        [jnp.concatenate([qnb if j == g else zb for j in range(F)], axis=1)
         for g in range(F)], axis=0)

    w = mem_ref[...]
    kn = []
    for g in range(F):
        keys_g = w[:, g * W:g * W + KS]
        ksq = jnp.sum(keys_g * keys_g, axis=1, keepdims=True)
        rcp = 1.0 / jnp.maximum(jnp.sqrt(ksq), EPS)
        kn.append((keys_g * rcp).astype(jnp.bfloat16))
    knb = jnp.concatenate(kn, axis=1)

    res = lax.dot_general(qq, knb, (((1,), (1,)), ((), ())),
                          preferred_element_type=jnp.float32)

    sims = [res[B * g:B * (g + 1), :] for g in range(F)]
    bm = jnp.full((B, 1), -jnp.inf, jnp.float32)
    for sim_g in sims:
        bm = jnp.maximum(bm, jnp.max(sim_g, axis=1, keepdims=True))

    iota = lax.broadcasted_iota(jnp.int32, (B, BLKF), 1)
    bidx = jnp.full((B, 1), 4 * BIG, jnp.int32)
    for g in range(F):
        cand = jnp.where(sims[g] == bm, iota, BIG)
        c_g = jnp.min(cand, axis=1, keepdims=True)
        bidx = jnp.minimum(bidx, 4 * (i * BLKF + c_g) + g)

    better = bm > bestv_ref[...]
    bestv_ref[...] = jnp.where(better, bm, bestv_ref[...])
    besti_ref[...] = jnp.where(better, bidx, besti_ref[...])

    @pl.when(i == GRID - 1)
    def _finish():
        idx_ref[...] = besti_ref[...]


_scan = pl.pallas_call(
    _scan_body,
    grid=(GRID,),
    in_specs=[
        pl.BlockSpec((B, KS), lambda i: (0, 0)),
        pl.BlockSpec((BLKF, WF), lambda i: (i, 0)),
    ],
    out_specs=pl.BlockSpec((B, 1), lambda i: (0, 0)),
    out_shape=jax.ShapeDtypeStruct((B, 1), jnp.int32),
    scratch_shapes=[
        pltpu.VMEM((B, 1), jnp.float32),
        pltpu.VMEM((B, 1), jnp.int32),
    ],
)

_NC = 2
_NW_USED = B // 8


@functools.cache
def _sc_gather_fn():
    mesh = plsc.VectorSubcoreMesh(core_axis_name="c", subcore_axis_name="s")

    @functools.partial(
        pl.kernel, mesh=mesh,
        out_type=jax.ShapeDtypeStruct((B, 2 * W), jnp.float32),
        scratch_types=[
            pltpu.VMEM((8,), jnp.int32),
            pltpu.VMEM((8, 2 * W), jnp.float32),
            pltpu.SemaphoreType.DMA,
        ],
    )
    def _sc_gather(table_hbm, idx_hbm, out_hbm, idx_v, rows_v, sem):
        wid = lax.axis_index("s") * _NC + lax.axis_index("c")

        @pl.when(wid < _NW_USED)
        def _():
            base = wid * 8
            pltpu.sync_copy(idx_hbm.at[pl.ds(base, 8)], idx_v)
            pltpu.async_copy(table_hbm.at[idx_v], rows_v, sem).wait()
            pltpu.sync_copy(rows_v, out_hbm.at[pl.ds(base, 8)])

    return _sc_gather


@jax.jit
def kernel(query, memory):
    q_norm = jnp.maximum(jnp.linalg.norm(query, axis=1, keepdims=True), EPS)
    qn = query / q_norm
    mem4 = memory.reshape(MF, WF)
    idx = _scan(qn, mem4)[:, 0]
    rows = _sc_gather_fn()(memory.reshape(M // 2, 2 * W), idx >> 1)
    odd = (idx & 1)[:, None] == 1
    return jnp.where(odd, rows[:, W + KS:], rows[:, KS:W])

# --- scband reference (transcript-rebuilt; emitter-appended) ---
"""Pipeline reference for scband-long-term-memory-85126251807430 (READ-ONLY COPY).

The authoritative reference and input builder live on the scoring server;
editing this copy changes nothing except your own understanding.
"""

import jax, jax.numpy as jnp
import numpy as np

MEMORY_SIZE = 1000000
KEY_SIZE = 32
VALUE_SIZE = 32
BATCH = 64


def setup_inputs(seed: int = 0) -> dict:
    key = jax.random.key(seed)
    k1, k2 = jax.random.split(key)
    query = jax.random.normal(k1, (BATCH, KEY_SIZE), dtype=jnp.float32)
    memory = jax.random.normal(k2, (MEMORY_SIZE, KEY_SIZE + VALUE_SIZE), dtype=jnp.float32)
    return {"query": query, "memory": memory}


def reference(query, memory):
    # retrieve(query): cosine similarity against all memory keys, top-1, gather values
    keys = memory[:, :KEY_SIZE]
    values = memory[:, KEY_SIZE:]
    eps = 1e-8
    q_norm = jnp.maximum(jnp.linalg.norm(query, axis=1, keepdims=True), eps)
    k_norm = jnp.maximum(jnp.linalg.norm(keys, axis=1, keepdims=True), eps)
    qn = query / q_norm
    kn = keys / k_norm
    similarities = qn @ kn.T  # [B, M]
    _, top_idx = jax.lax.top_k(similarities, 1)  # indices [B, 1]
    retrieved_values = jnp.take(values, top_idx[:, 0], axis=0)  # [B, value_size]
    return retrieved_values

if __name__ == "__main__":
    import jax
    _d = setup_inputs()
    print(jax.jit(kernel)(*tuple(_d.values())))

</pallas_src>

<mosaic_0001>
#map = affine_map<(d0, d1) -> (0, 0)>
#map1 = affine_map<(d0, d1) -> (0)>
module attributes {stable_mosaic.version = 14 : i64} {
  func.func @_sc_gather(%arg0: i32, %arg1: i32, %arg2: memref<500000x128xf32, #tpu.memory_space<hbm>>, %arg3: memref<64xi32, #tpu.memory_space<hbm>>, %arg4: memref<64x128xf32, #tpu.memory_space<hbm>>, %arg5: memref<8xi32, #tpu.memory_space<vmem>>, %arg6: memref<8x128xf32, #tpu.memory_space<vmem>>, %arg7: memref<!tpu.dma_semaphore, #tpu.memory_space<semaphore_mem>>) attributes {dimension_semantics = [#tpu.dimension_semantics<core_parallel>, #tpu.dimension_semantics<subcore_parallel>], iteration_bounds = array<i64: 2, 16>, scalar_prefetch = 0 : i64, scratch_operands = 3 : i64, tpu.core_type = #tpu.core_type<sc_vector_subcore>, window_params = [{transform_indices = #map}, {transform_indices = #map1}, {transform_indices = #map}]} {
    %mul3A = arith.constant 2 : i32
    %mul3A_0 = arith.muli %arg1, %mul3A : i32
    %add3A = arith.addi %mul3A_0, %arg0 : i32
    %lt3A = arith.constant 8 : i32
    %lt3A_1 = arith.cmpi slt, %add3A, %lt3A : i32
    %convert_element_type3A = arith.extui %lt3A_1 : i1 to i32
    %cond3A = arith.constant 0 : i32
    %cond3A_2 = arith.cmpi ne, %convert_element_type3A, %cond3A : i32
    scf.if %cond3A_2 {
      %mul3A_3 = arith.constant 8 : i32
      %mul3A_4 = arith.muli %add3A, %mul3A_3 : i32
      "tpu.region"() ({
        %run_scoped3A = tpu.sem_alloc : memref<!tpu.dma_semaphore, #tpu.memory_space<semaphore_mem>>
        %dma_start3A_9 = tpu.memref_slice %arg3[%mul3A_4] : memref<64xi32, #tpu.memory_space<hbm>> -> memref<8xi32, #tpu.memory_space<hbm>>
        %dma_start3A_10 = tpu.memref_slice %arg3[%mul3A_4] : memref<64xi32, #tpu.memory_space<hbm>> -> memref<8xi32, #tpu.memory_space<hbm>>
        tpu.enqueue_dma source(%dma_start3A_10 : memref<8xi32, #tpu.memory_space<hbm>>) target(%arg5 : memref<8xi32, #tpu.memory_space<vmem>>) target_semaphore(%run_scoped3A : memref<!tpu.dma_semaphore, #tpu.memory_space<semaphore_mem>>)
        %dma_wait3A_11 = tpu.memref_slice %arg3[%mul3A_4] : memref<64xi32, #tpu.memory_space<hbm>> -> memref<8xi32, #tpu.memory_space<hbm>>
        %dma_wait3A_12 = tpu.memref_slice %arg3[%mul3A_4] : memref<64xi32, #tpu.memory_space<hbm>> -> memref<8xi32, #tpu.memory_space<hbm>>
        tpu.wait_dma2 semaphore(%run_scoped3A : memref<!tpu.dma_semaphore, #tpu.memory_space<semaphore_mem>>) src(%dma_wait3A_12 : memref<8xi32, #tpu.memory_space<hbm>>) dst(%arg5 : memref<8xi32, #tpu.memory_space<vmem>>)
        tpu.yield
      }) : () -> ()
      %dma_start3A = arith.constant 0 : i32
      %dma_start3A_5 = arith.constant 0 : i32
      %dma_start3A_6 = tpu.memref_slice %arg2[%dma_start3A, %dma_start3A_5] : memref<500000x128xf32, #tpu.memory_space<hbm>> -> memref<500000x128xf32, #tpu.memory_space<hbm>>
      tpu.enqueue_indirect_dma source(%dma_start3A_6 : memref<500000x128xf32, #tpu.memory_space<hbm>>) target(%arg6 : memref<8x128xf32, #tpu.memory_space<vmem>>) offsets(%arg5 : memref<8xi32, #tpu.memory_space<vmem>>) semaphore(%arg7 : memref<!tpu.dma_semaphore, #tpu.memory_space<semaphore_mem>>)
      %dma_wait3A = arith.constant 0 : i32
      %dma_wait3A_7 = arith.constant 0 : i32
      %dma_wait3A_8 = tpu.memref_slice %arg2[%dma_wait3A, %dma_wait3A_7] : memref<500000x128xf32, #tpu.memory_space<hbm>> -> memref<500000x128xf32, #tpu.memory_space<hbm>>
      tpu.wait_indirect_dma semaphore(%arg7 : memref<!tpu.dma_semaphore, #tpu.memory_space<semaphore_mem>>) src(%dma_wait3A_8 : memref<500000x128xf32, #tpu.memory_space<hbm>>) dst(%arg6 : memref<8x128xf32, #tpu.memory_space<vmem>>)
      "tpu.region"() ({
        %run_scoped3A = tpu.sem_alloc : memref<!tpu.dma_semaphore, #tpu.memory_space<semaphore_mem>>
        %dma_start3A_9 = arith.constant 0 : i32
        %dma_start3A_10 = tpu.memref_slice %arg4[%mul3A_4, %dma_start3A_9] : memref<64x128xf32, #tpu.memory_space<hbm>> -> memref<8x128xf32, #tpu.memory_space<hbm>>
        %dma_start3A_11 = arith.constant 0 : i32
        %dma_start3A_12 = tpu.memref_slice %arg4[%mul3A_4, %dma_start3A_11] : memref<64x128xf32, #tpu.memory_space<hbm>> -> memref<8x128xf32, #tpu.memory_space<hbm>>
        tpu.enqueue_dma source(%arg6 : memref<8x128xf32, #tpu.memory_space<vmem>>) target(%dma_start3A_12 : memref<8x128xf32, #tpu.memory_space<hbm>>) target_semaphore(%run_scoped3A : memref<!tpu.dma_semaphore, #tpu.memory_space<semaphore_mem>>)
        %dma_wait3A_13 = arith.constant 0 : i32
        %dma_wait3A_14 = tpu.memref_slice %arg4[%mul3A_4, %dma_wait3A_13] : memref<64x128xf32, #tpu.memory_space<hbm>> -> memref<8x128xf32, #tpu.memory_space<hbm>>
        %dma_wait3A_15 = arith.constant 0 : i32
        %dma_wait3A_16 = tpu.memref_slice %arg4[%mul3A_4, %dma_wait3A_15] : memref<64x128xf32, #tpu.memory_space<hbm>> -> memref<8x128xf32, #tpu.memory_space<hbm>>
        tpu.wait_dma2 semaphore(%run_scoped3A : memref<!tpu.dma_semaphore, #tpu.memory_space<semaphore_mem>>) src(%arg6 : memref<8x128xf32, #tpu.memory_space<vmem>>) dst(%dma_wait3A_16 : memref<8x128xf32, #tpu.memory_space<hbm>>)
        tpu.yield
      }) : () -> ()
    } else {
    }
    return
  }
}

module attributes {stable_mosaic.version = 14 : i64} {
  func.func @_scan_body(%arg0: i32, %arg1: memref<64x32xf32, #tpu.memory_space<vmem>>, %arg2: memref<2000x256xf32, #tpu.memory_space<vmem>>, %arg3: memref<64x1xi32, #tpu.memory_space<vmem>>, %arg4: memref<64x1xf32, #tpu.memory_space<vmem>>, %arg5: memref<64x1xi32, #tpu.memory_space<vmem>>) attributes {dimension_semantics = [#tpu.dimension_semantics<arbitrary>], iteration_bounds = array<i64: 125>, scalar_prefetch = 0 : i64, scratch_operands = 2 : i64, tpu.core_type = #tpu.core_type<tc>, window_params = [{pipeline_mode = #tpu.pipeline_mode<synchronous>, transform_indices = @transform_0, window_bounds = array<i64: 64, 32>}, {transform_indices = @transform_1, window_bounds = array<i64: 2000, 256>}, {pipeline_mode = #tpu.pipeline_mode<synchronous>, transform_indices = @transform_2, window_bounds = array<i64: 64, 1>}]} {
    %eq3A = arith.constant 0 : i32
    %eq3A_0 = arith.cmpi eq, %arg0, %eq3A : i32
    %convert_element_type3A = arith.extui %eq3A_0 : i1 to i32
    %cond3A = arith.constant 0 : i32
    %cond3A_1 = arith.cmpi ne, %convert_element_type3A, %cond3A : i32
    scf.if %cond3A_1 {
      %broadcast_in_dim3A_184 = arith.constant 0xFF800000 : f32
      %broadcast_in_dim3A_185 = vector.broadcast %broadcast_in_dim3A_184 : f32 to vector<64x1xf32>
      %swap3A_186 = arith.constant 0 : index
      %swap3A_187 = arith.constant 0 : index
      %swap3A_188 = vector.load %arg4[%swap3A_186, %swap3A_187] : memref<64x1xf32, #tpu.memory_space<vmem>>, vector<64x1xf32>
      tpu.vector_store %arg4[%swap3A_186, %swap3A_187], %broadcast_in_dim3A_185 {strides = array<i32>} : memref<64x1xf32, #tpu.memory_space<vmem>>, vector<64x1xf32>,
      %broadcast_in_dim3A_189 = arith.constant 0 : i32
      %broadcast_in_dim3A_190 = vector.broadcast %broadcast_in_dim3A_189 : i32 to vector<64x1xi32>
      %swap3A_191 = arith.constant 0 : index
      %swap3A_192 = arith.constant 0 : index
      %swap3A_193 = vector.load %arg5[%swap3A_191, %swap3A_192] : memref<64x1xi32, #tpu.memory_space<vmem>>, vector<64x1xi32>
      tpu.vector_store %arg5[%swap3A_191, %swap3A_192], %broadcast_in_dim3A_190 {strides = array<i32>} : memref<64x1xi32, #tpu.memory_space<vmem>>, vector<64x1xi32>,
    } else {
    }
    %get3A = arith.constant 0 : index
    %get3A_2 = arith.constant 0 : index
    %get3A_3 = vector.load %arg1[%get3A, %get3A_2] : memref<64x32xf32, #tpu.memory_space<vmem>>, vector<64x32xf32>
    %convert_element_type3A_4 = arith.truncf %get3A_3 : vector<64x32xf32> to vector<64x32xbf16>
    %broadcast_in_dim3A = arith.constant 0.000000e+00 : bf16
    %broadcast_in_dim3A_5 = vector.broadcast %broadcast_in_dim3A : bf16 to vector<64x32xbf16>
    %concatenate3A = tpu.concatenate %convert_element_type3A_4, %broadcast_in_dim3A_5, %broadcast_in_dim3A_5, %broadcast_in_dim3A_5 in 1 : vector<64x32xbf16>, vector<64x32xbf16>, vector<64x32xbf16>, vector<64x32xbf16> -> vector<64x128xbf16>
    %concatenate3A_6 = tpu.concatenate %broadcast_in_dim3A_5, %convert_element_type3A_4, %broadcast_in_dim3A_5, %broadcast_in_dim3A_5 in 1 : vector<64x32xbf16>, vector<64x32xbf16>, vector<64x32xbf16>, vector<64x32xbf16> -> vector<64x128xbf16>
    %concatenate3A_7 = tpu.concatenate %broadcast_in_dim3A_5, %broadcast_in_dim3A_5, %convert_element_type3A_4, %broadcast_in_dim3A_5 in 1 : vector<64x32xbf16>, vector<64x32xbf16>, vector<64x32xbf16>, vector<64x32xbf16> -> vector<64x128xbf16>
    %concatenate3A_8 = tpu.concatenate %broadcast_in_dim3A_5, %broadcast_in_dim3A_5, %broadcast_in_dim3A_5, %convert_element_type3A_4 in 1 : vector<64x32xbf16>, vector<64x32xbf16>, vector<64x32xbf16>, vector<64x32xbf16> -> vector<64x128xbf16>
    %concatenate3A_9 = tpu.concatenate %concatenate3A, %concatenate3A_6, %concatenate3A_7, %concatenate3A_8 in 0 : vector<64x128xbf16>, vector<64x128xbf16>, vector<64x128xbf16>, vector<64x128xbf16> -> vector<256x128xbf16>
    %get3A_10 = arith.constant 0 : index
    %get3A_11 = arith.constant 0 : index
    %get3A_12 = vector.load %arg2[%get3A_10, %get3A_11] : memref<2000x256xf32, #tpu.memory_space<vmem>>, vector<2000x256xf32>
    %slice3A = vector.extract_strided_slice %get3A_12 {offsets = [0, 0], sizes = [2000, 32], strides = [1, 1]} : vector<2000x256xf32> to vector<2000x32xf32>
    %mul3A = arith.mulf %slice3A, %slice3A : vector<2000x32xf32>
    %reduce_sum3A = arith.constant dense<0.000000e+00> : vector<2000xf32>
    %reduce_sum3A_13 = vector.multi_reduction <add>, %mul3A, %reduce_sum3A [1] : vector<2000x32xf32> to vector<2000xf32>
    %broadcast_in_dim3A_14 = vector.shape_cast %reduce_sum3A_13 : vector<2000xf32> to vector<2000x1xf32>
    %sqrt3A = math.sqrt %broadcast_in_dim3A_14 : vector<2000x1xf32>
    %max3A = arith.constant 9.99999993E-9 : f32
    %max3A_15 = vector.broadcast %max3A : f32 to vector<2000x1xf32>
    %max3A_16 = arith.maximumf %sqrt3A, %max3A_15 : vector<2000x1xf32>
    %div3A = arith.constant 1.000000e+00 : f32
    %div3A_17 = vector.broadcast %div3A : f32 to vector<2000x1xf32>
    %div3A_18 = arith.divf %div3A_17, %max3A_16 : vector<2000x1xf32>
    %mul3A_19 = vector.broadcast %div3A_18 : vector<2000x1xf32> to vector<2000x32xf32>
    %mul3A_20 = arith.mulf %slice3A, %mul3A_19 : vector<2000x32xf32>
    %convert_element_type3A_21 = arith.truncf %mul3A_20 : vector<2000x32xf32> to vector<2000x32xbf16>
    %slice3A_22 = vector.extract_strided_slice %get3A_12 {offsets = [0, 64], sizes = [2000, 32], strides = [1, 1]} : vector<2000x256xf32> to vector<2000x32xf32>
    %mul3A_23 = arith.mulf %slice3A_22, %slice3A_22 : vector<2000x32xf32>
    %reduce_sum3A_24 = arith.constant dense<0.000000e+00> : vector<2000xf32>
    %reduce_sum3A_25 = vector.multi_reduction <add>, %mul3A_23, %reduce_sum3A_24 [1] : vector<2000x32xf32> to vector<2000xf32>
    %broadcast_in_dim3A_26 = vector.shape_cast %reduce_sum3A_25 : vector<2000xf32> to vector<2000x1xf32>
    %sqrt3A_27 = math.sqrt %broadcast_in_dim3A_26 : vector<2000x1xf32>
    %max3A_28 = arith.constant 9.99999993E-9 : f32
    %max3A_29 = vector.broadcast %max3A_28 : f32 to vector<2000x1xf32>
    %max3A_30 = arith.maximumf %sqrt3A_27, %max3A_29 : vector<2000x1xf32>
    %div3A_31 = arith.constant 1.000000e+00 : f32
    %div3A_32 = vector.broadcast %div3A_31 : f32 to vector<2000x1xf32>
    %div3A_33 = arith.divf %div3A_32, %max3A_30 : vector<2000x1xf32>
    %mul3A_34 = vector.broadcast %div3A_33 : vector<2000x1xf32> to vector<2000x32xf32>
    %mul3A_35 = arith.mulf %slice3A_22, %mul3A_34 : vector<2000x32xf32>
    %convert_element_type3A_36 = arith.truncf %mul3A_35 : vector<2000x32xf32> to vector<2000x32xbf16>
    %slice3A_37 = vector.extract_strided_slice %get3A_12 {offsets = [0, 128], sizes = [2000, 32], strides = [1, 1]} : vector<2000x256xf32> to vector<2000x32xf32>
    %mul3A_38 = arith.mulf %slice3A_37, %slice3A_37 : vector<2000x32xf32>
    %reduce_sum3A_39 = arith.constant dense<0.000000e+00> : vector<2000xf32>
    %reduce_sum3A_40 = vector.multi_reduction <add>, %mul3A_38, %reduce_sum3A_39 [1] : vector<2000x32xf32> to vector<2000xf32>
    %broadcast_in_dim3A_41 = vector.shape_cast %reduce_sum3A_40 : vector<2000xf32> to vector<2000x1xf32>
    %sqrt3A_42 = math.sqrt %broadcast_in_dim3A_41 : vector<2000x1xf32>
    %max3A_43 = arith.constant 9.99999993E-9 : f32
    %max3A_44 = vector.broadcast %max3A_43 : f32 to vector<2000x1xf32>
    %max3A_45 = arith.maximumf %sqrt3A_42, %max3A_44 : vector<2000x1xf32>
    %div3A_46 = arith.constant 1.000000e+00 : f32
    %div3A_47 = vector.broadcast %div3A_46 : f32 to vector<2000x1xf32>
    %div3A_48 = arith.divf %div3A_47, %max3A_45 : vector<2000x1xf32>
    %mul3A_49 = vector.broadcast %div3A_48 : vector<2000x1xf32> to vector<2000x32xf32>
    %mul3A_50 = arith.mulf %slice3A_37, %mul3A_49 : vector<2000x32xf32>
    %convert_element_type3A_51 = arith.truncf %mul3A_50 : vector<2000x32xf32> to vector<2000x32xbf16>
    %slice3A_52 = vector.extract_strided_slice %get3A_12 {offsets = [0, 192], sizes = [2000, 32], strides = [1, 1]} : vector<2000x256xf32> to vector<2000x32xf32>
    %mul3A_53 = arith.mulf %slice3A_52, %slice3A_52 : vector<2000x32xf32>
    %reduce_sum3A_54 = arith.constant dense<0.000000e+00> : vector<2000xf32>
    %reduce_sum3A_55 = vector.multi_reduction <add>, %mul3A_53, %reduce_sum3A_54 [1] : vector<2000x32xf32> to vector<2000xf32>
    %broadcast_in_dim3A_56 = vector.shape_cast %reduce_sum3A_55 : vector<2000xf32> to vector<2000x1xf32>
    %sqrt3A_57 = math.sqrt %broadcast_in_dim3A_56 : vector<2000x1xf32>
    %max3A_58 = arith.constant 9.99999993E-9 : f32
    %max3A_59 = vector.broadcast %max3A_58 : f32 to vector<2000x1xf32>
    %max3A_60 = arith.maximumf %sqrt3A_57, %max3A_59 : vector<2000x1xf32>
    %div3A_61 = arith.constant 1.000000e+00 : f32
    %div3A_62 = vector.broadcast %div3A_61 : f32 to vector<2000x1xf32>
    %div3A_63 = arith.divf %div3A_62, %max3A_60 : vector<2000x1xf32>
    %mul3A_64 = vector.broadcast %div3A_63 : vector<2000x1xf32> to vector<2000x32xf32>
    %mul3A_65 = arith.mulf %slice3A_52, %mul3A_64 : vector<2000x32xf32>
    %convert_element_type3A_66 = arith.truncf %mul3A_65 : vector<2000x32xf32> to vector<2000x32xbf16>
    %concatenate3A_67 = tpu.concatenate %convert_element_type3A_21, %convert_element_type3A_36, %convert_element_type3A_51, %convert_element_type3A_66 in 1 : vector<2000x32xbf16>, vector<2000x32xbf16>, vector<2000x32xbf16>, vector<2000x32xbf16> -> vector<2000x128xbf16>
    %dot_general3A = arith.constant dense<0.000000e+00> : vector<256x2000xf32>
    %dot_general3A_68 = tpu.matmul %concatenate3A_9, %concatenate3A_67, %dot_general3A {dimension_numbers = #tpu.dot_dimension_numbers<[1], [1], [0], [0], [0, 0, 1, 0], [], []>, transpose_lhs_hint = false} : vector<256x128xbf16>, vector<2000x128xbf16>, vector<256x2000xf32> -> vector<256x2000xf32>
    %slice3A_69 = vector.extract_strided_slice %dot_general3A_68 {offsets = [0, 0], sizes = [64, 2000], strides = [1, 1]} : vector<256x2000xf32> to vector<64x2000xf32>
    %slice3A_70 = vector.extract_strided_slice %dot_general3A_68 {offsets = [64, 0], sizes = [64, 2000], strides = [1, 1]} : vector<256x2000xf32> to vector<64x2000xf32>
    %slice3A_71 = vector.extract_strided_slice %dot_general3A_68 {offsets = [128, 0], sizes = [64, 2000], strides = [1, 1]} : vector<256x2000xf32> to vector<64x2000xf32>
    %slice3A_72 = vector.extract_strided_slice %dot_general3A_68 {offsets = [192, 0], sizes = [64, 2000], strides = [1, 1]} : vector<256x2000xf32> to vector<64x2000xf32>
    %broadcast_in_dim3A_73 = arith.constant 0xFF800000 : f32
    %broadcast_in_dim3A_74 = vector.broadcast %broadcast_in_dim3A_73 : f32 to vector<64x1xf32>
    %reduce_max3A = arith.constant dense<0xFF800000> : vector<64xf32>
    %reduce_max3A_75 = vector.multi_reduction <maximumf>, %slice3A_69, %reduce_max3A [1] : vector<64x2000xf32> to vector<64xf32>
    %broadcast_in_dim3A_76 = vector.shape_cast %reduce_max3A_75 : vector<64xf32> to vector<64x1xf32>
    %max3A_77 = arith.maximumf %broadcast_in_dim3A_74, %broadcast_in_dim3A_76 : vector<64x1xf32>
    %reduce_max3A_78 = arith.constant dense<0xFF800000> : vector<64xf32>
    %reduce_max3A_79 = vector.multi_reduction <maximumf>, %slice3A_70, %reduce_max3A_78 [1] : vector<64x2000xf32> to vector<64xf32>
    %broadcast_in_dim3A_80 = vector.shape_cast %reduce_max3A_79 : vector<64xf32> to vector<64x1xf32>
    %max3A_81 = arith.maximumf %max3A_77, %broadcast_in_dim3A_80 : vector<64x1xf32>
    %reduce_max3A_82 = arith.constant dense<0xFF800000> : vector<64xf32>
    %reduce_max3A_83 = vector.multi_reduction <maximumf>, %slice3A_71, %reduce_max3A_82 [1] : vector<64x2000xf32> to vector<64xf32>
    %broadcast_in_dim3A_84 = vector.shape_cast %reduce_max3A_83 : vector<64xf32> to vector<64x1xf32>
    %max3A_85 = arith.maximumf %max3A_81, %broadcast_in_dim3A_84 : vector<64x1xf32>
    %reduce_max3A_86 = arith.constant dense<0xFF800000> : vector<64xf32>
    %reduce_max3A_87 = vector.multi_reduction <maximumf>, %slice3A_72, %reduce_max3A_86 [1] : vector<64x2000xf32> to vector<64xf32>
    %broadcast_in_dim3A_88 = vector.shape_cast %reduce_max3A_87 : vector<64xf32> to vector<64x1xf32>
    %max3A_89 = arith.maximumf %max3A_85, %broadcast_in_dim3A_88 : vector<64x1xf32>
    %iota3A = tpu.iota {dimensions = array<i32: 1>} : vector<64x2000xi32>
    %broadcast_in_dim3A_90 = arith.constant 1073741824 : i32
    %broadcast_in_dim3A_91 = vector.broadcast %broadcast_in_dim3A_90 : i32 to vector<64x1xi32>
    %eq3A_92 = vector.broadcast %max3A_89 : vector<64x1xf32> to vector<64x2000xf32>
    %eq3A_93 = arith.cmpf oeq, %slice3A_69, %eq3A_92 : vector<64x2000xf32>
    %jit3A = arith.constant 268435456 : i32
    %broadcast_in_dim3A_94 = vector.broadcast %jit3A : i32 to vector<64x2000xi32>
    %select_n3A = arith.select %eq3A_93, %iota3A, %broadcast_in_dim3A_94 : vector<64x2000xi1>, vector<64x2000xi32>
    %reduce_min3A = arith.constant dense<2147483647> : vector<64xi32>
    %reduce_min3A_95 = vector.multi_reduction <minsi>, %select_n3A, %reduce_min3A [1] : vector<64x2000xi32> to vector<64xi32>
    %broadcast_in_dim3A_96 = vector.shape_cast %reduce_min3A_95 : vector<64xi32> to vector<64x1xi32>
    %mul3A_97 = arith.constant 2000 : i32
    %mul3A_98 = arith.muli %arg0, %mul3A_97 : i32
    %add3A = vector.broadcast %mul3A_98 : i32 to vector<64x1xi32>
    %add3A_99 = arith.addi %add3A, %broadcast_in_dim3A_96 : vector<64x1xi32>
    %mul3A_100 = arith.constant 4 : i32
    %mul3A_101 = vector.broadcast %mul3A_100 : i32 to vector<64x1xi32>
    %mul3A_102 = arith.muli %mul3A_101, %add3A_99 : vector<64x1xi32>
    %add3A_103 = arith.constant 0 : i32
    %add3A_104 = vector.broadcast %add3A_103 : i32 to vector<64x1xi32>
    %add3A_105 = arith.addi %mul3A_102, %add3A_104 : vector<64x1xi32>
    %min3A = arith.minsi %broadcast_in_dim3A_91, %add3A_105 : vector<64x1xi32>
    %eq3A_106 = vector.broadcast %max3A_89 : vector<64x1xf32> to vector<64x2000xf32>
    %eq3A_107 = arith.cmpf oeq, %slice3A_70, %eq3A_106 : vector<64x2000xf32>
    %jit3A_108 = arith.constant 268435456 : i32
    %broadcast_in_dim3A_109 = vector.broadcast %jit3A_108 : i32 to vector<64x2000xi32>
    %select_n3A_110 = arith.select %eq3A_107, %iota3A, %broadcast_in_dim3A_109 : vector<64x2000xi1>, vector<64x2000xi32>
    %reduce_min3A_111 = arith.constant dense<2147483647> : vector<64xi32>
    %reduce_min3A_112 = vector.multi_reduction <minsi>, %select_n3A_110, %reduce_min3A_111 [1] : vector<64x2000xi32> to vector<64xi32>
    %broadcast_in_dim3A_113 = vector.shape_cast %reduce_min3A_112 : vector<64xi32> to vector<64x1xi32>
    %mul3A_114 = arith.constant 2000 : i32
    %mul3A_115 = arith.muli %arg0, %mul3A_114 : i32
    %add3A_116 = vector.broadcast %mul3A_115 : i32 to vector<64x1xi32>
    %add3A_117 = arith.addi %add3A_116, %broadcast_in_dim3A_113 : vector<64x1xi32>
    %mul3A_118 = arith.constant 4 : i32
    %mul3A_119 = vector.broadcast %mul3A_118 : i32 to vector<64x1xi32>
    %mul3A_120 = arith.muli %mul3A_119, %add3A_117 : vector<64x1xi32>
    %add3A_121 = arith.constant 1 : i32
    %add3A_122 = vector.broadcast %add3A_121 : i32 to vector<64x1xi32>
    %add3A_123 = arith.addi %mul3A_120, %add3A_122 : vector<64x1xi32>
    %min3A_124 = arith.minsi %min3A, %add3A_123 : vector<64x1xi32>
    %eq3A_125 = vector.broadcast %max3A_89 : vector<64x1xf32> to vector<64x2000xf32>
    %eq3A_126 = arith.cmpf oeq, %slice3A_71, %eq3A_125 : vector<64x2000xf32>
    %jit3A_127 = arith.constant 268435456 : i32
    %broadcast_in_dim3A_128 = vector.broadcast %jit3A_127 : i32 to vector<64x2000xi32>
    %select_n3A_129 = arith.select %eq3A_126, %iota3A, %broadcast_in_dim3A_128 : vector<64x2000xi1>, vector<64x2000xi32>
    %reduce_min3A_130 = arith.constant dense<2147483647> : vector<64xi32>
    %reduce_min3A_131 = vector.multi_reduction <minsi>, %select_n3A_129, %reduce_min3A_130 [1] : vector<64x2000xi32> to vector<64xi32>
    %broadcast_in_dim3A_132 = vector.shape_cast %reduce_min3A_131 : vector<64xi32> to vector<64x1xi32>
    %mul3A_133 = arith.constant 2000 : i32
    %mul3A_134 = arith.muli %arg0, %mul3A_133 : i32
    %add3A_135 = vector.broadcast %mul3A_134 : i32 to vector<64x1xi32>
    %add3A_136 = arith.addi %add3A_135, %broadcast_in_dim3A_132 : vector<64x1xi32>
    %mul3A_137 = arith.constant 4 : i32
    %mul3A_138 = vector.broadcast %mul3A_137 : i32 to vector<64x1xi32>
    %mul3A_139 = arith.muli %mul3A_138, %add3A_136 : vector<64x1xi32>
    %add3A_140 = arith.constant 2 : i32
    %add3A_141 = vector.broadcast %add3A_140 : i32 to vector<64x1xi32>
    %add3A_142 = arith.addi %mul3A_139, %add3A_141 : vector<64x1xi32>
    %min3A_143 = arith.minsi %min3A_124, %add3A_142 : vector<64x1xi32>
    %eq3A_144 = vector.broadcast %max3A_89 : vector<64x1xf32> to vector<64x2000xf32>
    %eq3A_145 = arith.cmpf oeq, %slice3A_72, %eq3A_144 : vector<64x2000xf32>
    %jit3A_146 = arith.constant 268435456 : i32
    %broadcast_in_dim3A_147 = vector.broadcast %jit3A_146 : i32 to vector<64x2000xi32>
    %select_n3A_148 = arith.select %eq3A_145, %iota3A, %broadcast_in_dim3A_147 : vector<64x2000xi1>, vector<64x2000xi32>
    %reduce_min3A_149 = arith.constant dense<2147483647> : vector<64xi32>
    %reduce_min3A_150 = vector.multi_reduction <minsi>, %select_n3A_148, %reduce_min3A_149 [1] : vector<64x2000xi32> to vector<64xi32>
    %broadcast_in_dim3A_151 = vector.shape_cast %reduce_min3A_150 : vector<64xi32> to vector<64x1xi32>
    %mul3A_152 = arith.constant 2000 : i32
    %mul3A_153 = arith.muli %arg0, %mul3A_152 : i32
    %add3A_154 = vector.broadcast %mul3A_153 : i32 to vector<64x1xi32>
    %add3A_155 = arith.addi %add3A_154, %broadcast_in_dim3A_151 : vector<64x1xi32>
    %mul3A_156 = arith.constant 4 : i32
    %mul3A_157 = vector.broadcast %mul3A_156 : i32 to vector<64x1xi32>
    %mul3A_158 = arith.muli %mul3A_157, %add3A_155 : vector<64x1xi32>
    %add3A_159 = arith.constant 3 : i32
    %add3A_160 = vector.broadcast %add3A_159 : i32 to vector<64x1xi32>
    %add3A_161 = arith.addi %mul3A_158, %add3A_160 : vector<64x1xi32>
    %min3A_162 = arith.minsi %min3A_143, %add3A_161 : vector<64x1xi32>
    %get3A_163 = arith.constant 0 : index
    %get3A_164 = arith.constant 0 : index
    %get3A_165 = vector.load %arg4[%get3A_163, %get3A_164] : memref<64x1xf32, #tpu.memory_space<vmem>>, vector<64x1xf32>
    %gt3A = arith.cmpf ogt, %max3A_89, %get3A_165 : vector<64x1xf32>
    %get3A_166 = arith.constant 0 : index
    %get3A_167 = arith.constant 0 : index
    %get3A_168 = vector.load %arg4[%get3A_166, %get3A_167] : memref<64x1xf32, #tpu.memory_space<vmem>>, vector<64x1xf32>
    %select_n3A_169 = arith.select %gt3A, %max3A_89, %get3A_168 : vector<64x1xi1>, vector<64x1xf32>
    %swap3A = arith.constant 0 : index
    %swap3A_170 = arith.constant 0 : index
    %swap3A_171 = vector.load %arg4[%swap3A, %swap3A_170] : memref<64x1xf32, #tpu.memory_space<vmem>>, vector<64x1xf32>
    tpu.vector_store %arg4[%swap3A, %swap3A_170], %select_n3A_169 {strides = array<i32>} : memref<64x1xf32, #tpu.memory_space<vmem>>, vector<64x1xf32>,
    %get3A_172 = arith.constant 0 : index
    %get3A_173 = arith.constant 0 : index
    %get3A_174 = vector.load %arg5[%get3A_172, %get3A_173] : memref<64x1xi32, #tpu.memory_space<vmem>>, vector<64x1xi32>
    %select_n3A_175 = arith.select %gt3A, %min3A_162, %get3A_174 : vector<64x1xi1>, vector<64x1xi32>
    %swap3A_176 = arith.constant 0 : index
    %swap3A_177 = arith.constant 0 : index
    %swap3A_178 = vector.load %arg5[%swap3A_176, %swap3A_177] : memref<64x1xi32, #tpu.memory_space<vmem>>, vector<64x1xi32>
    tpu.vector_store %arg5[%swap3A_176, %swap3A_177], %select_n3A_175 {strides = array<i32>} : memref<64x1xi32, #tpu.memory_space<vmem>>, vector<64x1xi32>,
    %eq3A_179 = arith.constant 124 : i32
    %eq3A_180 = arith.cmpi eq, %arg0, %eq3A_179 : i32
    %convert_element_type3A_181 = arith.extui %eq3A_180 : i1 to i32
    %cond3A_182 = arith.constant 0 : i32
    %cond3A_183 = arith.cmpi ne, %convert_element_type3A_181, %cond3A_182 : i32
    scf.if %cond3A_183 {
      %get3A_184 = arith.constant 0 : index
      %get3A_185 = arith.constant 0 : index
      %get3A_186 = vector.load %arg5[%get3A_184, %get3A_185] : memref<64x1xi32, #tpu.memory_space<vmem>>, vector<64x1xi32>
      %swap3A_187 = arith.constant 0 : index
      %swap3A_188 = arith.constant 0 : index
      %swap3A_189 = vector.load %arg3[%swap3A_187, %swap3A_188] : memref<64x1xi32, #tpu.memory_space<vmem>>, vector<64x1xi32>
      tpu.vector_store %arg3[%swap3A_187, %swap3A_188], %get3A_186 {strides = array<i32>} : memref<64x1xi32, #tpu.memory_space<vmem>>, vector<64x1xi32>,
    } else {
    }
    return
  }
  func.func @transform_0(%arg0: i32) -> (i32, i32) {
    %c0_i32 = arith.constant 0 : i32
    %c0_i32_0 = arith.constant 0 : i32
    %c0_i32_1 = arith.constant 0 : i32
    return %c0_i32, %c0_i32_0 : i32, i32
  }
  func.func @transform_1(%arg0: i32) -> (i32, i32) {
    %c0_i32 = arith.constant 0 : i32
    %c0_i32_0 = arith.constant 0 : i32
    return %arg0, %c0_i32 : i32, i32
  }
  func.func @transform_2(%arg0: i32) -> (i32, i32) {
    %c0_i32 = arith.constant 0 : i32
    %c0_i32_0 = arith.constant 0 : i32
    %c0_i32_1 = arith.constant 0 : i32
    return %c0_i32, %c0_i32_0 : i32, i32
  }
}

</mosaic_0001>

<sc_bundles>
// kernel: kernel.4.cloned.1.call-start
scs
__scs_entry_jumppad:
0x0: {  	(pc) =	sbr.rel $0x88, $3  }
0x1: {  	(tag) =	ssettag $0x0;
	lr =	simm.s32 $0x1  }
0x2: {  	[smem:$0x3F9F] =	sst lr;
	_ =	strace $0xD0000000  }
0x3: {  	_ = 	snop  }
0x4: {  	_ = 	snop  }
0x5: {  	_ = 	snop  }
0x6: {  	_ = 	snop  }
0x7: {  	_ = 	snop  }
__scs_overlays_trampoline_lowered:
0x8: {  	[smem:$0x3FAE] =	sst s0  }
0x9: {  	[smem:$0x3FAF] =	sst s1  }
0xa: {  	[smem:$0x3FB0] =	sst s2  }
0xb: {  	[smem:$0x3FB1] =	sst s3  }
0xc: {  	[smem:$0x3FB2] =	sst s4  }
0xd: {  	[smem:$0x3FB3] =	sst s5  }
0xe: {  	[smem:$0x3FB4] =	sst s6  }
0xf: {  	[smem:$0x3FB5] =	sst s7  }
0x10: {  	[smem:$0x3FB6] =	sst s8  }
0x11: {  	[smem:$0x3FB7] =	sst s9;
	s0 =	simm.s32 @!p0 $0x0  }
0x12: {  	s1 =	sld [smem:$0x3F9D];
	s0 =	simm.s32 @p0 $0x1  }
0x13: {  	[smem:$0x3FB8] =	sst s0;
	s0 =	simm.s32 @!p1 $0x0  }
0x14: {  	s2 =	sld [smem:$0x3F9C];
	s0 =	simm.s32 @p1 $0x1  }
0x15: {  	[smem:$0x3FB9] =	sst s0;
	s0 =	simm.s32 @!p2 $0x0  }
0x16: {  	s3 =	sld [smem:$0x3FDB];
	s0 =	simm.s32 @p2 $0x1  }
0x17: {  	s4 =	simm.s32 $0x1BF5;
	[smem:$0x3FBB] =	sst s0  }
0x18: {  	s0 =	sld [smem:$0x3F9E];
	_ =	swait.ge [sflag:s4], $0x0  }
0x19: {  	s7 =	sld [smem:$0x3F9F]  }
0x1a: {  	s8 =	sadd.s32 $0xFFFFE003, lr  }
0x1b: {  	s9 =	sadd.s32 $0xFFFFFEF7, lr;
	s5 =	simm.s32 $0xFFFFFFFF;
	p2 =	slt.u32 s8, $0xFFFFF086  }
0x1c: {  	p1 =	slt.u32 s9, $0xF7A;
	s5 =	simm.s32 @!p2 $0x0  }
0x1d: {  	s5 =	simm.s32 @p1 $0x1;
	p0 =	seq.s32 s7, s2  }
0x1e: {  	s7 =	smul.u32 @!p0 $0xF7A, s2;
	p2 =	seq.s32 @!p0 s5, $0x0  }
0x1f: {  	s9 =	smul.u32 $0xF7A, s1;
	s8 =	simm.s32 @!p0 $0x1BF5;
	p2 =	por !p2, p0  }
0x20: {  	[sflag:s8] =	ssyncset.s32 @!p0 $0xFFFFF086;
	s6 =	sadd.s32 @!p0 s3, s7;
	s7 =	simm.s32 @!p0 $0x108  }
0x21: {  	s3 =	sadd.s32 s3, s9;
	s6 =	sadd.s32 @!p0 $0x88, s6;
	s7 =	simm.s32 @p2 $0x1082  }
0x22: {  	[simem:s7], [sflag:s8] =	dma.local @!p0 [hbm:s6], $0xF7A  }
0x23: {  	s9 =	sor.u32 $0xD0000000, s2;
	s6 =	simm.s32 $0x108;
	_ =	swait.ge @!p0 [sflag:s8], $0x0  }
0x24: {  	s3 =	sadd.s32 $0x88, s3;
	s6 =	simm.s32 @!p1 $0x1082;
	[sflag:s4] =	ssyncset.s32 $0xFFFFF086  }
0x25: {  	[simem:s6], [sflag:s4] =	dma.local [hbm:s3], $0xF7A  }
0x26: {  	[smem:$0x3F9F] =	sst s1;
	(tag) =	ssettag s2;
	_ =	strace s9  }
0x27: {  	s1 =	sld [smem:$0x3FAF]  }
0x28: {  	s2 =	sld [smem:$0x3FB0]  }
0x29: {  	s4 =	sld [smem:$0x3FB2]  }
0x2a: {  	p0 =	seq.s32 s5, $0x0;
	s5 =	sld [smem:$0x3FB3]  }
0x2b: {  	s6 =	sld [smem:$0x3FB4]  }
0x2c: {  	s7 =	sld [smem:$0x3FB5]  }
0x2d: {  	s3 =	simm.s32 $0x108;
	s8 =	sld [smem:$0x3FB6]  }
0x2e: {  	s3 =	simm.s32 @!p0 $0x1082;
	s9 =	sld [smem:$0x3FB7]  }
0x2f: {  	lr =	sadd.s32 s0, s3;
	s0 =	sld [smem:$0x3FAE]  }
0x30: {  	s3 =	sld [smem:$0x3FB1]  }
0x31: {  	[smem:$0x3FBA] =	sst s10  }
0x32: {  	s10 =	sld [smem:$0x3FB8];
	_ =	sdelay $0x3  }
0x33: {  	p0 =	seq.s32 s10, $0x1;
	s10 =	sld [smem:$0x3FBA];
	_ =	sdelay $0x3  }
0x34: {  	[smem:$0x3FBA] =	sst s10  }
0x35: {  	s10 =	sld [smem:$0x3FB9];
	_ =	sdelay $0x3  }
0x36: {  	p1 =	seq.s32 s10, $0x1;
	s10 =	sld [smem:$0x3FBA];
	_ =	sdelay $0x3  }
0x37: {  	[smem:$0x3FBA] =	sst s10  }
0x38: {  	s10 =	sld [smem:$0x3FBB]  }
0x39: {  	_ = 	snop;
	(pc) =	sbr.ind lr, $3  }
0x3a: {  	_ = 	snop  }
0x3b: {  	_ = 	snop  }
0x3c: {  	p2 =	seq.s32 s10, $0x1;
	s10 =	sld [smem:$0x3FBA]  }
0x3d: {  	_ =	shalt  }
0x3e: {  	_ =	shalt  }
0x3f: {  	_ =	shalt  }
0x40: {  	_ =	shalt  }
0x41: {  	_ =	shalt  }
0x42: {  	_ =	shalt  }
0x43: {  	_ =	shalt  }
0x44: {  	_ =	shalt  }
0x45: {  	_ =	shalt  }
0x46: {  	_ =	shalt  }
0x47: {  	_ =	shalt  }
0x48: {  	_ =	shalt  }
0x49: {  	_ =	shalt  }
0x4a: {  	_ =	shalt  }
0x4b: {  	_ =	shalt  }
0x4c: {  	_ =	shalt  }
0x4d: {  	_ =	shalt  }
0x4e: {  	_ =	shalt  }
0x4f: {  	_ =	shalt  }
0x50: {  	_ =	shalt  }
0x51: {  	_ =	shalt  }
0x52: {  	_ =	shalt  }
0x53: {  	_ =	shalt  }
0x54: {  	_ =	shalt  }
0x55: {  	_ =	shalt  }
0x56: {  	_ =	shalt  }
0x57: {  	_ =	shalt  }
0x58: {  	_ =	shalt  }
0x59: {  	_ =	shalt  }
0x5a: {  	_ =	shalt  }
0x5b: {  	_ =	shalt  }
0x5c: {  	_ =	shalt  }
0x5d: {  	_ =	shalt  }
0x5e: {  	_ =	shalt  }
0x5f: {  	_ =	shalt  }
0x60: {  	_ =	shalt  }
0x61: {  	_ =	shalt  }
0x62: {  	_ =	shalt  }
0x63: {  	_ =	shalt  }
0x64: {  	_ =	shalt  }
0x65: {  	_ =	shalt  }
0x66: {  	_ =	shalt  }
0x67: {  	_ =	shalt  }
0x68: {  	_ =	shalt  }
0x69: {  	_ =	shalt  }
0x6a: {  	_ =	shalt  }
0x6b: {  	_ =	shalt  }
0x6c: {  	_ =	shalt  }
0x6d: {  	_ =	shalt  }
0x6e: {  	_ =	shalt  }
0x6f: {  	_ =	shalt  }
0x70: {  	_ =	shalt  }
0x71: {  	_ =	shalt  }
0x72: {  	_ =	shalt  }
0x73: {  	_ =	shalt  }
0x74: {  	_ =	shalt  }
0x75: {  	_ =	shalt  }
0x76: {  	_ =	shalt  }
0x77: {  	_ =	shalt  }
0x78: {  	_ =	shalt  }
0x79: {  	_ =	shalt  }
0x7a: {  	_ =	shalt  }
0x7b: {  	_ =	shalt  }
0x7c: {  	_ =	shalt  }
0x7d: {  	_ =	shalt  }
0x7e: {  	_ =	shalt  }
0x7f: {  	_ =	shalt  }
0x80: {  	_ =	shalt  }
0x81: {  	_ =	shalt  }
0x82: {  	_ =	shalt  }
0x83: {  	_ =	shalt  }
0x84: {  	_ =	shalt  }
0x85: {  	_ =	shalt  }
0x86: {  	_ =	shalt  }
0x87: {  	_ =	shalt  }
.Lfunc_end0:
.L_simem_size_0:
called_computation_lowered:
.L_overlay_start_0:
0x88: {  	s2 =	sld [smem:$0x3FD9]  }
0x89: {  	s3 =	sld [smem:$0x3FFE];
	_ =	sdelay $0x1  }
0x8a: {  	s1 =	srdreg.scid  }
0x8b: {  	s0 =	sand.u32 $0x1, s1  }
0x8c: {  	s17 =	sshll.u32 s0, $0xA;
	s2 =	sadd.s32 s3, s2  }
0x8d: {  	s2 =	sadd.s32 s2, s17  }
0x8e: {  	[smem:$0x3FC6] =	sst s2  }
0x8f: {  	_ = 	snop  }
0x90: {  	s2 =	sld [smem:$0x3FD0];
	(tm) =	ssettm $0x1  }
0x91: {  	s18 =	sld [smem:$0x3FFB];
	_ =	sdelay $0x3  }
0x92: {  	_ =	strace s18  }
0x93: {  	s3 =	sld [smem:$0x3FFC];
	_ =	sdelay $0x3  }
0x94: {  	_ =	strace s3  }
0x95: {  	s3 =	sld [smem:$0x3FFD];
	_ =	sdelay $0x3  }
0x96: {  	_ =	strace s3  }
0x97: {  	_ =	strace $0x8FFFFFFF  }
0x98: {  	s19 =	sld [smem:$0x3FDB];
	_ =	sdelay $0x1  }
0x99: {  	s4 =	simm.s32 $_scs_section_size  }
0x9a: {  	s5 =	simm.s32 $_size__tile_overlayer_lowered;
	s6 =	simm.s32 $_tile_overlayer_lowered  }
0x9b: {  	s22 =	simm.s32 $0x1BFF;
	s21 =	sshll.u32 s6, $0x1;
	s3 =	sadd.s32 s4, s19  }
0x9c: {  	s7 =	simm.s32 $0x0;
	s20 =	sshll.u32 s5, $0x1;
	s5 =	sadd.s32 s21, s3  }
0x9d: {  	[timem:s7], [sflag:s22] =	dma.local [hbm:s5], s20  }
0x9e: {  	_ =	swait.ge [sflag:s22], s20  }
0x9f: {  	s4 =	ssub.s32 $0x0, s20;
	[sflag:s22] =	ssyncset.done $0x0  }
0xa0: {  	[sflag:s22] =	ssyncadd.s32 s4;
	_ =	sdelay $0x1  }
0xa1: {  	s23 =	simm.s32 $0x1B8B  }
0xa2: {  	_ =	swait.ge [sflag:s23], $0x1  }
0xa3: {  	[sflag:s23] =	ssyncset.done $0x0  }
0xa4: {  	s25 =	simm.s32 $0x1B8E;
	s24 =	sld [smem:$0x3FFE];
	[sflag:s23] =	ssyncadd.s32 $0xFFFFFFFF  }
0xa5: {  	s26 =	simm.s32 $execute0_lowered;
	[smem:$0x3FD2] =	sst s25  }
0xa6: {  	s5 =	sshll.u32 s26, $0x1;
	_ =	strace $0x80000046;
	[dreg:$0x1] =	wrdreg $0xFFFFFFFF  }
0xa7: {  	s28 =	simm.s32 $_size_execute0_lowered;
	s3 =	sadd.s32 s3, s5;
	[dreg:$0x0] =	wrdreg $0x0  }
0xa8: {  	s5 =	sshll.u32 s28, $0x1;
	[dreg:$0x2] =	wrdreg s3  }
0xa9: {  	[dreg:$0x3] =	wrdreg s5  }
0xaa: {  	[dreg:$0x4] =	wrdreg $0xC0  }
0xab: {  	_ =	task [dreg:s7], $0x5FFFF  }
0xac: {  	[dreg:$0x1] =	wrdreg $0xFFFFFFFF  }
0xad: {  	[dreg:$0x0] =	wrdreg $0x60  }
0xae: {  	[dreg:$0x2] =	wrdreg s24  }
0xaf: {  	[dreg:$0x3] =	wrdreg s2  }
0xb0: {  	[dreg:$0x4] =	wrdreg $0x9  }
0xb1: {  	_ =	task.clear_ibuf [dreg:s7], $0x5FFFF;
	_ =	strace $0x90000046  }
0xb2: {  	s29 =	simm.s32 $0x9;
	_ =	strace $0x80000048  }
0xb3: {  	_ =	swait.ge [sflag:s29], $0x1  }
0xb4: {  	[sflag:s29] =	ssyncadd.s32 $0xFFFFFFFF  }
0xb5: {  	_ =	strace $0x90000048  }
0xb6: {  	_ =	sfence  }
0xb7: {  	s30 =	sld [smem:$0x0];
	_ =	sdelay $0x2  }
0xb8: {  	s31 =	sshll.u32 s1, $0xD;
	s1 =	sshrl.u32 s1, $0x2  }
0xb9: {  	s3 =	sand.u32 $0x4000, s31;
	s1 =	sadd.s32 s1, s30  }
0xba: {  	s0 =	sor.u32 s3, s0;
	s1 =	sshll.u32 s1, $0x11  }
0xbb: {  	s0 =	sor.u32 s1, s0  }
0xbc: {  	s0 =	sadd.s32 $0x8F2B, s0  }
0xbd: {  	[sflag:s0] =	ssyncadd.remote.s32 $0x1  }
0xbe: {  	_ =	sfence.sel $0xFFFF  }
0xbf: {  	[dreg:$0x0] =	wrdreg $0xFFFFFFFF;
	(pc) =	sbr.abs _section_cstart, $3  }
0xc0: {  	[dreg:$0x1] =	wrdreg $0xFFFFFFFF  }
0xc1: {  	_ =	task.clear_ibuf [dreg:s7], $0x2FFFF;
	_ =	strace $0x9FFFFFFF  }
0xc2: {  	(tm) =	ssettm $0x7FFFFFFF  }
0xc3: {  	_ =	shalt  }
tec
execute0_lowered:
.L_overlay_start_1:
0x0: {  	(tag) =	ssettag $0x1  }
0x1: {  	s1 =	stileid.u32  }
0x2: {  	p0 =	sgt.u32 s1, $0x3  }
.Ltmp0:
0x3: {  	_ = 	snop;
	(pc) =	sbr.rel @p0 .LBB2_4-.Ltmp0, $4  }
0x4: {  	s9 =	rddreg [dreg:$0x0]  }
0x5: {  	s3 =	rddreg [dreg:$0x1];
	s2 =	simm.s32 $0x0  }
0x6: {  	[smem:$0x7FF] =	sst s2  }
0x7: {  	s0 =	rddreg [dreg:$0x2];
	_ =	strace $0x80000047  }
0x8: {  	s4 =	srdreg.scid  }
0x9: {  	s29 =	sshll.u32 s1, $0x1;
	s5 =	sadd.s32 $0x16E3A00, s9;
	s6 =	sand.u32 $0x1, s4  }
0xa: {  	s7 =	simm.s32 $0x80;
	s8 =	simm.s32 $0x1;
	s10 =	sor.u32 s6, s29  }
0xb: {  	s11 =	ssub.s32 $0x2, s6;
	s4 =	sadd.s32 s3, s10;
	s3 =	simm.s32 $0x2  }
0xc: {  	[tilespmem:s2], [sflag:$0x2] =	stream.linear.gather [hbm4b:s4+s2], $0x8, $0x38;
	[tilespmem:$0x480] =	vst v63  }
0xd: {  	s6 =	simm.s32 $0x8;
	s12 =	sshrl.u32 s11, $0x1;
	_ =	swait.ge [sflag:s3], $0x8  }
0xe: {  	s10 =	sshll.u32 s10, $0x7;
	s31 =	ssub.s32 s11, s12;
	[sflag:s3] =	ssyncset.done $0x0  }
0xf: {  	s30 =	sadd.s32 s10, s9;
	s10 =	smax.u32 s31, $0x1;
	[sflag:s3] =	ssyncadd.s32 $0xFFFFFFF8  }
0x10: {  	[tilespmem:s7], [sflag:$0x1] =	stream.indirect.gather [hbm4b:s5+s6], $0x80, s2, s6, $0xb8;
	[tilespmem:$0x480] =	vst v63  }
0x11: {  	p0 =	sne.s32 s10, $0x1;
	_ =	swait.ge [sflag:s8], $0x400  }
.Ltmp1:
0x12: {  	[sflag:s8] =	ssyncset.done $0x0;
	(pc) =	sbr.rel @!p0 .LBB2_3-.Ltmp1, $4  }
0x13: {  	s9 =	sadd.s32 $0x400, s30;
	[sflag:s8] =	ssyncadd.s32 $0xFFFFFC00  }
0x14: {  	[hbm4b:s9+s2] =	stream.linear.scatter [tilespmem:s7], [sflag:$0x2], $0x400, $0x38;
	[tilespmem:$0x480] =	vst v63  }
0x15: {  	_ =	swait.ge [sflag:s3], $0x400  }
0x16: {  	s10 =	sadd.s32 $0xFFFFFFFF, s10;
	[sflag:s3] =	ssyncset.done $0x0  }
.LBB2_2:
0x17: {  	p0 =	sne.s32 s10, $0x1;
	s10 =	sadd.s32 $0xFFFFFFFF, s10;
	[sflag:s3] =	ssyncadd.s32 $0xFFFFFC00  }
0x18: {  	[tilespmem:s2], [sflag:$0x2] =	stream.linear.gather [hbm4b:s4+s2], $0x8, $0x38;
	[tilespmem:$0x480] =	vst v63  }
0x19: {  	_ =	swait.ge [sflag:s3], $0x8  }
0x1a: {  	[sflag:s3] =	ssyncset.done $0x0  }
0x1b: {  	[sflag:s3] =	ssyncadd.s32 $0xFFFFFFF8  }
0x1c: {  	[tilespmem:s7], [sflag:$0x1] =	stream.indirect.gather [hbm4b:s5+s6], $0x80, s2, s6, $0xb8;
	[tilespmem:$0x480] =	vst v63  }
0x1d: {  	_ =	swait.ge [sflag:s8], $0x400  }
.Ltmp2:
0x1e: {  	[sflag:s8] =	ssyncset.done $0x0;
	(pc) =	sbr.rel @p0 .LBB2_2-.Ltmp2, $4  }
0x1f: {  	[sflag:s8] =	ssyncadd.s32 $0xFFFFFC00  }
0x20: {  	[hbm4b:s9+s2] =	stream.linear.scatter [tilespmem:s7], [sflag:$0x2], $0x400, $0x38;
	[tilespmem:$0x480] =	vst v63  }
0x21: {  	_ =	swait.ge [sflag:s3], $0x400  }
0x22: {  	[sflag:s3] =	ssyncset.done $0x0  }
.LBB2_3:
0x23: {  	[sflag:s3] =	ssyncadd.s32 $0xFFFFFC00  }
.LBB2_4:
0x24: {  	_ =	sfence.sel $0x180000  }
0x25: {  	[bflag:$0x0] =	sbarrier.arrive $0xFFFF  }
0x26: {  	p0 =	sne.s32 s1, $0x0;
	_ =	strace $0x90000047  }
0x27: {  	s0 =	sadd.s32 @!p0 $0x100000, s0;
	[bflag:$0x2] =	sbarrier.arrive $0xFFFF  }
0x28: {  	[sflag:s0] =	ssyncadd.tile.s32 @!p0 $0x1;
	_ =	shalt  }
.Lfunc_end2:
_tile_overlayer_lowered:
.L_overlay_start_2:
0x29: {  	(tag) =	ssettag $0x2  }
0x2a: {  	s0 =	rddreg [dreg:$0x0];
	s2 =	stileid.u32  }
0x2b: {  	s1 =	rddreg [dreg:$0x1];
	p0 =	sne.s32 s2, $0x0  }
0x2c: {  	s3 =	rddreg [dreg:$0x2];
	[bflag:$0x3] =	sbarrier.arrive $0xFFFF;
	s2 =	simm.s32 @!p0 $0x1C02  }
0x2d: {  	[timem:s3], [sflag:s2] =	dma.local @!p0 [hbm:s0], s1  }
0x2e: {  	s0 =	simm.s32 @!p0 $0x2  }
0x2f: {  	_ =	swait.ge @!p0 [sflag:s0], s1  }
0x30: {  	s1 =	ssub.s32 @!p0 $0x0, s1;
	[sflag:s0] =	ssyncset.done @!p0 $0x0  }
0x31: {  	[sflag:s0] =	ssyncadd.s32 @!p0 s1  }
0x32: {  	[bflag:$0x3] =	sbarrier.arrive $0xFFFF  }
0x33: {  	_ =	shalt  }

</sc_bundles>
